<compile_context>
chip_gen: v7x
topology: tpu7x:2x2x1
jax: 0.10.2.dev20260603
libtpu: 0.0.44.dev20260713+nightly
codegen_flags: <defaults>
</compile_context>

<pallas_src>
import functools

import jax
import jax.numpy as jnp
from jax.experimental import pallas as pl
from jax.experimental.pallas import tpu as pltpu

_DIM = 1024


def _sortnet_body(q_ref, k_ref, w_ref, idx_ref, val_ref):
    buckets = q_ref.shape[1]
    qs = jnp.sum(q_ref[0], axis=1)
    ks = jnp.sum(k_ref[0], axis=1)
    x = jnp.concatenate([qs, ks], axis=1)
    r = jnp.dot(x, w_ref[0], preferred_element_type=jnp.float32)
    r = jnp.maximum(r, 0.0)
    m = jnp.max(r, axis=1, keepdims=True)
    e = jnp.exp(r - m)
    s = jnp.sum(e, axis=1, keepdims=True)
    val = 1.0 / s
    ids = jax.lax.broadcasted_iota(jnp.int32, (buckets, buckets), 1)
    cand = jnp.where(r == m, ids, buckets)
    idx = jnp.min(cand, axis=1, keepdims=True)
    idx_ref[0] = jnp.broadcast_to(idx, (buckets, buckets))
    val_ref[0] = jnp.broadcast_to(val, (buckets, buckets))


def _attn_body(idx_sref, val_sref, q_ref, k_ref, v_ref, out_ref, *, buckets):
    i = pl.program_id(0)
    scale = _DIM ** -0.5

    def body(u, _):
        t = idx_sref[i * buckets + u]
        w = val_sref[i * buckets + u]
        qb = q_ref[0, u]
        kcat = jnp.concatenate([k_ref[0, t] * w, k_ref[0, u]], axis=0)
        vcat = jnp.concatenate([v_ref[0, t] * w, v_ref[0, u]], axis=0)
        d = jax.lax.dot_general(
            qb, kcat, (((1,), (1,)), ((), ())),
            preferred_element_type=jnp.float32) * scale
        m = jnp.max(d, axis=1, keepdims=True)
        e = jnp.exp(d - m)
        p = e / jnp.sum(e, axis=1, keepdims=True)
        out_ref[0, u] = jnp.dot(p, vcat, preferred_element_type=jnp.float32)
        return 0

    jax.lax.fori_loop(0, buckets, body, 0)


def kernel(q, k, v, W_sort):
    b, h, t, dh = q.shape
    buckets = 128
    bsz = t // buckets
    bh = b * h

    q4 = q.reshape(bh, buckets, bsz, dh)
    k4 = k.reshape(bh, buckets, bsz, dh)
    v4 = v.reshape(bh, buckets, bsz, dh)
    w3 = W_sort.reshape(h, 2 * dh, buckets)

    idx_m, val_m = pl.pallas_call(
        _sortnet_body,
        grid=(bh,),
        in_specs=[
            pl.BlockSpec((1, buckets, bsz, dh), lambda i: (i, 0, 0, 0)),
            pl.BlockSpec((1, buckets, bsz, dh), lambda i: (i, 0, 0, 0)),
            pl.BlockSpec((1, 2 * dh, buckets), lambda i: (i % h, 0, 0)),
        ],
        out_specs=[
            pl.BlockSpec((1, buckets, buckets), lambda i: (i, 0, 0)),
            pl.BlockSpec((1, buckets, buckets), lambda i: (i, 0, 0)),
        ],
        out_shape=[
            jax.ShapeDtypeStruct((bh, buckets, buckets), jnp.int32),
            jax.ShapeDtypeStruct((bh, buckets, buckets), jnp.float32),
        ],
    )(q4, k4, w3)

    idx = idx_m[:, :, 0].reshape(-1)
    vals = val_m[:, :, 0].reshape(-1)

    out4 = pl.pallas_call(
        functools.partial(_attn_body, buckets=buckets),
        grid_spec=pltpu.PrefetchScalarGridSpec(
            num_scalar_prefetch=2,
            grid=(bh,),
            in_specs=[
                pl.BlockSpec((1, buckets, bsz, dh), lambda i, *_: (i, 0, 0, 0)),
                pl.BlockSpec((1, buckets, bsz, dh), lambda i, *_: (i, 0, 0, 0)),
                pl.BlockSpec((1, buckets, bsz, dh), lambda i, *_: (i, 0, 0, 0)),
            ],
            out_specs=pl.BlockSpec(
                (1, buckets, bsz, dh), lambda i, *_: (i, 0, 0, 0)),
        ),
        out_shape=jax.ShapeDtypeStruct((bh, buckets, bsz, dh), jnp.float32),
    )(idx, vals, q4, k4, v4)

    return out4.reshape(b, h, t, dh)

# --- scband reference (transcript-rebuilt; emitter-appended) ---
"""Pipeline reference for scband-sinkhorn-self-attention-87033217286671 (READ-ONLY COPY).

The authoritative reference and input builder live on the scoring server;
editing this copy changes nothing except your own understanding.
"""

import jax, jax.numpy as jnp
import numpy as np

B, H, T, DH = 4, 16, 8192, 64
BUCKETS = 128
DIM = 1024  # self.dim used for scaling (note: module scales by dim, not dim_heads)


def setup_inputs(seed: int = 0) -> dict:
    key = jax.random.key(seed)
    k1, k2, k3, k4 = jax.random.split(key, 4)
    q = jax.random.normal(k1, (B, H, T, DH), dtype=jnp.float32)
    k = jax.random.normal(k2, (B, H, T, DH), dtype=jnp.float32)
    v = jax.random.normal(k3, (B, H, T, DH), dtype=jnp.float32)
    # SimpleSortNet learned parameter: nn.Parameter(torch.randn(1, heads, dim_heads*2, buckets))
    W_sort = jax.random.normal(k4, (1, H, 2 * DH, BUCKETS), dtype=jnp.float32)
    return {"q": q, "k": k, "v": v, "W_sort": W_sort}


def reference(q, k, v, W_sort):
    b, h, t, dh = q.shape
    bh = b * h
    buckets = BUCKETS
    bsz = t // buckets

    # merge batch and head dims
    qf = q.reshape(bh, t, dh)
    kf = k.reshape(bh, t, dh)
    vf = v.reshape(bh, t, dh)

    # bucket
    b_q = qf.reshape(bh, buckets, bsz, dh)
    b_k = kf.reshape(bh, buckets, bsz, dh)
    b_v = vf.reshape(bh, buckets, bsz, dh)

    # SimpleSortNet forward (non_permutative=True path)
    x = jnp.concatenate((b_q.sum(axis=2), b_k.sum(axis=2)), axis=-1)  # [bh, buckets, 2*dh]
    W = jnp.broadcast_to(W_sort, (b, h, 2 * dh, buckets)).reshape(bh, 2 * dh, buckets)
    R = jax.nn.relu(jnp.einsum('bnd,bdk->bnk', x, W))
    R = jax.nn.softmax(R, axis=-1)

    # zero_all_but_top(R, dim=2, k=1): keep only the top-1 entry along last dim
    idx = jnp.argmax(R, axis=2)  # [bh, buckets]
    vals = jnp.take_along_axis(R, idx[:, :, None], axis=2)  # [bh, buckets, 1]
    R = jax.nn.one_hot(idx, buckets, dtype=R.dtype) * vals  # scatter top values into zeros

    # reorder key/value buckets with the (sparse) doubly-stochastic-ish matrix
    b_k_r = jnp.einsum('buv,bvtd->butd', R, b_k)
    b_v_r = jnp.einsum('buv,bvtd->butd', R, b_v)

    # buckets == kv_buckets, n_sortcut == 0: concat reordered with local
    b_k_cat = jnp.concatenate((b_k_r, b_k), axis=2)  # [bh, buckets, 2*bsz, dh]
    b_v_cat = jnp.concatenate((b_v_r, b_v), axis=2)

    dots = jnp.einsum('buie,buje->buij', b_q, b_k_cat) * (DIM ** -0.5)
    dots = jax.nn.softmax(dots, axis=-1)
    # dropout p=0.0 -> identity
    out = jnp.einsum('buij,buje->buie', dots, b_v_cat)  # [bh, buckets, bsz, dh]

    out = out.reshape(bh, t, dh).reshape(b, h, t, dh)
    return out

if __name__ == "__main__":
    import jax
    _d = setup_inputs()
    print(jax.jit(kernel)(*tuple(_d.values())))

</pallas_src>

<mosaic_0001>
module attributes {stable_mosaic.version = 14 : i64} {
  func.func @_sortnet_body(%arg0: i32, %arg1: memref<1x128x64x64xf32, #tpu.memory_space<vmem>>, %arg2: memref<1x128x64x64xf32, #tpu.memory_space<vmem>>, %arg3: memref<1x128x128xf32, #tpu.memory_space<vmem>>, %arg4: memref<1x128x128xi32, #tpu.memory_space<vmem>>, %arg5: memref<1x128x128xf32, #tpu.memory_space<vmem>>) attributes {dimension_semantics = [#tpu.dimension_semantics<arbitrary>], iteration_bounds = array<i64: 64>, scalar_prefetch = 0 : i64, scratch_operands = 0 : i64, tpu.core_type = #tpu.core_type<tc>, window_params = [{transform_indices = @transform_0, window_bounds = array<i64: 1, 128, 64, 64>}, {transform_indices = @transform_1, window_bounds = array<i64: 1, 128, 64, 64>}, {transform_indices = @transform_2, window_bounds = array<i64: 1, 128, 128>}, {transform_indices = @transform_3, window_bounds = array<i64: 1, 128, 128>}, {transform_indices = @transform_4, window_bounds = array<i64: 1, 128, 128>}]} {
    %get3A = arith.constant 0 : index
    %get3A_0 = arith.constant 0 : index
    %get3A_1 = arith.constant 0 : index
    %get3A_2 = arith.constant 0 : index
    %get3A_3 = vector.load %arg1[%get3A, %get3A_0, %get3A_1, %get3A_2] : memref<1x128x64x64xf32, #tpu.memory_space<vmem>>, vector<1x128x64x64xf32>
    %get3A_4 = vector.shape_cast %get3A_3 : vector<1x128x64x64xf32> to vector<128x64x64xf32>
    %reduce_sum3A = arith.constant dense<0.000000e+00> : vector<128x64xf32>
    %reduce_sum3A_5 = vector.multi_reduction <add>, %get3A_4, %reduce_sum3A [1] : vector<128x64x64xf32> to vector<128x64xf32>
    %get3A_6 = arith.constant 0 : index
    %get3A_7 = arith.constant 0 : index
    %get3A_8 = arith.constant 0 : index
    %get3A_9 = arith.constant 0 : index
    %get3A_10 = vector.load %arg2[%get3A_6, %get3A_7, %get3A_8, %get3A_9] : memref<1x128x64x64xf32, #tpu.memory_space<vmem>>, vector<1x128x64x64xf32>
    %get3A_11 = vector.shape_cast %get3A_10 : vector<1x128x64x64xf32> to vector<128x64x64xf32>
    %reduce_sum3A_12 = arith.constant dense<0.000000e+00> : vector<128x64xf32>
    %reduce_sum3A_13 = vector.multi_reduction <add>, %get3A_11, %reduce_sum3A_12 [1] : vector<128x64x64xf32> to vector<128x64xf32>
    %concatenate3A = tpu.concatenate %reduce_sum3A_5, %reduce_sum3A_13 in 1 : vector<128x64xf32>, vector<128x64xf32> -> vector<128x128xf32>
    %get3A_14 = arith.constant 0 : index
    %get3A_15 = arith.constant 0 : index
    %get3A_16 = arith.constant 0 : index
    %get3A_17 = vector.load %arg3[%get3A_14, %get3A_15, %get3A_16] : memref<1x128x128xf32, #tpu.memory_space<vmem>>, vector<1x128x128xf32>
    %get3A_18 = vector.shape_cast %get3A_17 : vector<1x128x128xf32> to vector<128x128xf32>
    %dot_general3A = arith.constant dense<0.000000e+00> : vector<128x128xf32>
    %dot_general3A_19 = tpu.matmul %concatenate3A, %get3A_18, %dot_general3A {dimension_numbers = #tpu.dot_dimension_numbers<[1], [0], [0], [1], [0, 0, 1, 1], [], []>, transpose_lhs_hint = false} : vector<128x128xf32>, vector<128x128xf32>, vector<128x128xf32> -> vector<128x128xf32>
    %max3A = arith.constant 0.000000e+00 : f32
    %max3A_20 = vector.broadcast %max3A : f32 to vector<128x128xf32>
    %max3A_21 = arith.maximumf %dot_general3A_19, %max3A_20 : vector<128x128xf32>
    %reduce_max3A = arith.constant dense<0xFF800000> : vector<128xf32>
    %reduce_max3A_22 = vector.multi_reduction <maximumf>, %max3A_21, %reduce_max3A [1] : vector<128x128xf32> to vector<128xf32>
    %broadcast_in_dim3A = vector.shape_cast %reduce_max3A_22 : vector<128xf32> to vector<128x1xf32>
    %sub3A = vector.broadcast %broadcast_in_dim3A : vector<128x1xf32> to vector<128x128xf32>
    %sub3A_23 = arith.subf %max3A_21, %sub3A : vector<128x128xf32>
    %exp3A = math.exp %sub3A_23 : vector<128x128xf32>
    %reduce_sum3A_24 = arith.constant dense<0.000000e+00> : vector<128xf32>
    %reduce_sum3A_25 = vector.multi_reduction <add>, %exp3A, %reduce_sum3A_24 [1] : vector<128x128xf32> to vector<128xf32>
    %broadcast_in_dim3A_26 = vector.shape_cast %reduce_sum3A_25 : vector<128xf32> to vector<128x1xf32>
    %div3A = arith.constant 1.000000e+00 : f32
    %div3A_27 = vector.broadcast %div3A : f32 to vector<128x1xf32>
    %div3A_28 = arith.divf %div3A_27, %broadcast_in_dim3A_26 : vector<128x1xf32>
    %iota3A = tpu.iota {dimensions = array<i32: 1>} : vector<128x128xi32>
    %eq3A = vector.broadcast %broadcast_in_dim3A : vector<128x1xf32> to vector<128x128xf32>
    %eq3A_29 = arith.cmpf oeq, %max3A_21, %eq3A : vector<128x128xf32>
    %jit3A = arith.constant 128 : i32
    %broadcast_in_dim3A_30 = vector.broadcast %jit3A : i32 to vector<128x128xi32>
    %select_n3A = arith.select %eq3A_29, %iota3A, %broadcast_in_dim3A_30 : vector<128x128xi1>, vector<128x128xi32>
    %reduce_min3A = arith.constant dense<2147483647> : vector<128xi32>
    %reduce_min3A_31 = vector.multi_reduction <minsi>, %select_n3A, %reduce_min3A [1] : vector<128x128xi32> to vector<128xi32>
    %broadcast_in_dim3A_32 = vector.shape_cast %reduce_min3A_31 : vector<128xi32> to vector<128x1xi32>
    %broadcast_in_dim3A_33 = vector.shape_cast %broadcast_in_dim3A_32 : vector<128x1xi32> to vector<128x1xi32>
    %broadcast_in_dim3A_34 = vector.broadcast %broadcast_in_dim3A_33 : vector<128x1xi32> to vector<128x128xi32>
    %swap3A = arith.constant 0 : index
    %swap3A_35 = arith.constant 0 : index
    %swap3A_36 = arith.constant 0 : index
    %swap3A_37 = vector.load %arg4[%swap3A, %swap3A_35, %swap3A_36] : memref<1x128x128xi32, #tpu.memory_space<vmem>>, vector<1x128x128xi32>
    %swap3A_38 = vector.shape_cast %swap3A_37 : vector<1x128x128xi32> to vector<128x128xi32>
    %swap3A_39 = vector.shape_cast %broadcast_in_dim3A_34 : vector<128x128xi32> to vector<1x128x128xi32>
    tpu.vector_store %arg4[%swap3A, %swap3A_35, %swap3A_36], %swap3A_39 {strides = array<i32>} : memref<1x128x128xi32, #tpu.memory_space<vmem>>, vector<1x128x128xi32>,
    %broadcast_in_dim3A_40 = vector.shape_cast %div3A_28 : vector<128x1xf32> to vector<128x1xf32>
    %broadcast_in_dim3A_41 = vector.broadcast %broadcast_in_dim3A_40 : vector<128x1xf32> to vector<128x128xf32>
    %swap3A_42 = arith.constant 0 : index
    %swap3A_43 = arith.constant 0 : index
    %swap3A_44 = arith.constant 0 : index
    %swap3A_45 = vector.load %arg5[%swap3A_42, %swap3A_43, %swap3A_44] : memref<1x128x128xf32, #tpu.memory_space<vmem>>, vector<1x128x128xf32>
    %swap3A_46 = vector.shape_cast %swap3A_45 : vector<1x128x128xf32> to vector<128x128xf32>
    %swap3A_47 = vector.shape_cast %broadcast_in_dim3A_41 : vector<128x128xf32> to vector<1x128x128xf32>
    tpu.vector_store %arg5[%swap3A_42, %swap3A_43, %swap3A_44], %swap3A_47 {strides = array<i32>} : memref<1x128x128xf32, #tpu.memory_space<vmem>>, vector<1x128x128xf32>,
    return
  }
  func.func @transform_0(%arg0: i32) -> (i32, i32, i32, i32) {
    %c0_i32 = arith.constant 0 : i32
    %c0_i32_0 = arith.constant 0 : i32
    %c0_i32_1 = arith.constant 0 : i32
    %c0_i32_2 = arith.constant 0 : i32
    return %arg0, %c0_i32, %c0_i32_0, %c0_i32_1 : i32, i32, i32, i32
  }
  func.func @transform_1(%arg0: i32) -> (i32, i32, i32, i32) {
    %c0_i32 = arith.constant 0 : i32
    %c0_i32_0 = arith.constant 0 : i32
    %c0_i32_1 = arith.constant 0 : i32
    %c0_i32_2 = arith.constant 0 : i32
    return %arg0, %c0_i32, %c0_i32_0, %c0_i32_1 : i32, i32, i32, i32
  }
  func.func @transform_2(%arg0: i32) -> (i32, i32, i32) {
    %jit3A = arith.constant 16 : i32
    %eq3A = arith.constant 0 : i32
    %eq3A_0 = arith.cmpi eq, %jit3A, %eq3A : i32
    %jit3A_1 = arith.constant 1 : i32
    %select_n3A = arith.select %eq3A_0, %jit3A_1, %jit3A : i32
    %rem3A = arith.remsi %arg0, %select_n3A : i32
    %ne3A = arith.constant 0 : i32
    %ne3A_2 = arith.cmpi ne, %rem3A, %ne3A : i32
    %lt3A = arith.constant 0 : i32
    %lt3A_3 = arith.cmpi slt, %rem3A, %lt3A : i32
    %lt3A_4 = arith.constant 0 : i32
    %lt3A_5 = arith.cmpi slt, %select_n3A, %lt3A_4 : i32
    %ne3A_6 = arith.xori %lt3A_3, %lt3A_5 : i1
    %and3A = arith.andi %ne3A_6, %ne3A_2 : i1
    %add3A = arith.addi %rem3A, %select_n3A : i32
    %select_n3A_7 = arith.select %and3A, %add3A, %rem3A : i32
    %c0_i32 = arith.constant 0 : i32
    %c0_i32_8 = arith.constant 0 : i32
    %c0_i32_9 = arith.constant 0 : i32
    return %select_n3A_7, %c0_i32, %c0_i32_8 : i32, i32, i32
  }
  func.func @transform_3(%arg0: i32) -> (i32, i32, i32) {
    %c0_i32 = arith.constant 0 : i32
    %c0_i32_0 = arith.constant 0 : i32
    %c0_i32_1 = arith.constant 0 : i32
    return %arg0, %c0_i32, %c0_i32_0 : i32, i32, i32
  }
  func.func @transform_4(%arg0: i32) -> (i32, i32, i32) {
    %c0_i32 = arith.constant 0 : i32
    %c0_i32_0 = arith.constant 0 : i32
    %c0_i32_1 = arith.constant 0 : i32
    return %arg0, %c0_i32, %c0_i32_0 : i32, i32, i32
  }
}

module attributes {stable_mosaic.version = 14 : i64} {
  func.func @_attn_body(%arg0: i32, %arg1: memref<8192xi32, #tpu.memory_space<smem>>, %arg2: memref<8192xf32, #tpu.memory_space<smem>>, %arg3: memref<1x128x64x64xf32, #tpu.memory_space<vmem>>, %arg4: memref<1x128x64x64xf32, #tpu.memory_space<vmem>>, %arg5: memref<1x128x64x64xf32, #tpu.memory_space<vmem>>, %arg6: memref<1x128x64x64xf32, #tpu.memory_space<vmem>>) attributes {dimension_semantics = [#tpu.dimension_semantics<arbitrary>], iteration_bounds = array<i64: 64>, scalar_prefetch = 2 : i64, scratch_operands = 0 : i64, tpu.core_type = #tpu.core_type<tc>, window_params = [{transform_indices = @transform_0, window_bounds = array<i64: 1, 128, 64, 64>}, {transform_indices = @transform_1, window_bounds = array<i64: 1, 128, 64, 64>}, {transform_indices = @transform_2, window_bounds = array<i64: 1, 128, 64, 64>}, {transform_indices = @transform_3, window_bounds = array<i64: 1, 128, 64, 64>}]} {
    %scan3A = arith.constant 0 : i32
    %scan3A_0 = arith.constant 128 : i32
    %scan3A_1 = arith.addi %scan3A, %scan3A_0 : i32
    %scan3A_2 = arith.constant 1 : i32
    scf.for %scan3A_4 = %scan3A to %scan3A_1 step %scan3A_2  : i32 {
      %mul3A = arith.constant 128 : i32
      %mul3A_5 = arith.muli %arg0, %mul3A : i32
      %add3A = arith.addi %mul3A_5, %scan3A_4 : i32
      %get3A = arith.index_cast %add3A : i32 to index
      %get3A_6 = memref.load %arg1[%get3A] : memref<8192xi32, #tpu.memory_space<smem>>
      %mul3A_7 = arith.constant 128 : i32
      %mul3A_8 = arith.muli %arg0, %mul3A_7 : i32
      %add3A_9 = arith.addi %mul3A_8, %scan3A_4 : i32
      %get3A_10 = arith.index_cast %add3A_9 : i32 to index
      %get3A_11 = memref.load %arg2[%get3A_10] : memref<8192xf32, #tpu.memory_space<smem>>
      %get3A_12 = arith.constant 0 : index
      %get3A_13 = arith.index_cast %scan3A_4 : i32 to index
      %get3A_14 = arith.constant 0 : index
      %get3A_15 = arith.constant 0 : index
      %get3A_16 = vector.load %arg3[%get3A_12, %get3A_13, %get3A_14, %get3A_15] : memref<1x128x64x64xf32, #tpu.memory_space<vmem>>, vector<1x1x64x64xf32>
      %get3A_17 = vector.shape_cast %get3A_16 : vector<1x1x64x64xf32> to vector<64x64xf32>
      %get3A_18 = arith.constant 0 : index
      %get3A_19 = arith.index_cast %get3A_6 : i32 to index
      %get3A_20 = arith.constant 0 : index
      %get3A_21 = arith.constant 0 : index
      %get3A_22 = vector.load %arg4[%get3A_18, %get3A_19, %get3A_20, %get3A_21] : memref<1x128x64x64xf32, #tpu.memory_space<vmem>>, vector<1x1x64x64xf32>
      %get3A_23 = vector.shape_cast %get3A_22 : vector<1x1x64x64xf32> to vector<64x64xf32>
      %mul3A_24 = vector.broadcast %get3A_11 : f32 to vector<64x64xf32>
      %mul3A_25 = arith.mulf %get3A_23, %mul3A_24 : vector<64x64xf32>
      %get3A_26 = arith.constant 0 : index
      %get3A_27 = arith.index_cast %scan3A_4 : i32 to index
      %get3A_28 = arith.constant 0 : index
      %get3A_29 = arith.constant 0 : index
      %get3A_30 = vector.load %arg4[%get3A_26, %get3A_27, %get3A_28, %get3A_29] : memref<1x128x64x64xf32, #tpu.memory_space<vmem>>, vector<1x1x64x64xf32>
      %get3A_31 = vector.shape_cast %get3A_30 : vector<1x1x64x64xf32> to vector<64x64xf32>
      %concatenate3A = tpu.concatenate %mul3A_25, %get3A_31 in 0 : vector<64x64xf32>, vector<64x64xf32> -> vector<128x64xf32>
      %get3A_32 = arith.constant 0 : index
      %get3A_33 = arith.index_cast %get3A_6 : i32 to index
      %get3A_34 = arith.constant 0 : index
      %get3A_35 = arith.constant 0 : index
      %get3A_36 = vector.load %arg5[%get3A_32, %get3A_33, %get3A_34, %get3A_35] : memref<1x128x64x64xf32, #tpu.memory_space<vmem>>, vector<1x1x64x64xf32>
      %get3A_37 = vector.shape_cast %get3A_36 : vector<1x1x64x64xf32> to vector<64x64xf32>
      %mul3A_38 = vector.broadcast %get3A_11 : f32 to vector<64x64xf32>
      %mul3A_39 = arith.mulf %get3A_37, %mul3A_38 : vector<64x64xf32>
      %get3A_40 = arith.constant 0 : index
      %get3A_41 = arith.index_cast %scan3A_4 : i32 to index
      %get3A_42 = arith.constant 0 : index
      %get3A_43 = arith.constant 0 : index
      %get3A_44 = vector.load %arg5[%get3A_40, %get3A_41, %get3A_42, %get3A_43] : memref<1x128x64x64xf32, #tpu.memory_space<vmem>>, vector<1x1x64x64xf32>
      %get3A_45 = vector.shape_cast %get3A_44 : vector<1x1x64x64xf32> to vector<64x64xf32>
      %concatenate3A_46 = tpu.concatenate %mul3A_39, %get3A_45 in 0 : vector<64x64xf32>, vector<64x64xf32> -> vector<128x64xf32>
      %dot_general3A = arith.constant dense<0.000000e+00> : vector<64x128xf32>
      %dot_general3A_47 = tpu.matmul %get3A_17, %concatenate3A, %dot_general3A {dimension_numbers = #tpu.dot_dimension_numbers<[1], [1], [0], [0], [0, 0, 1, 0], [], []>, transpose_lhs_hint = false} : vector<64x64xf32>, vector<128x64xf32>, vector<64x128xf32> -> vector<64x128xf32>
      %mul3A_48 = arith.constant 3.125000e-02 : f32
      %mul3A_49 = vector.broadcast %mul3A_48 : f32 to vector<64x128xf32>
      %mul3A_50 = arith.mulf %dot_general3A_47, %mul3A_49 : vector<64x128xf32>
      %reduce_max3A = arith.constant dense<0xFF800000> : vector<64xf32>
      %reduce_max3A_51 = vector.multi_reduction <maximumf>, %mul3A_50, %reduce_max3A [1] : vector<64x128xf32> to vector<64xf32>
      %broadcast_in_dim3A = vector.shape_cast %reduce_max3A_51 : vector<64xf32> to vector<64x1xf32>
      %sub3A = vector.broadcast %broadcast_in_dim3A : vector<64x1xf32> to vector<64x128xf32>
      %sub3A_52 = arith.subf %mul3A_50, %sub3A : vector<64x128xf32>
      %exp3A = math.exp %sub3A_52 : vector<64x128xf32>
      %reduce_sum3A = arith.constant dense<0.000000e+00> : vector<64xf32>
      %reduce_sum3A_53 = vector.multi_reduction <add>, %exp3A, %reduce_sum3A [1] : vector<64x128xf32> to vector<64xf32>
      %broadcast_in_dim3A_54 = vector.shape_cast %reduce_sum3A_53 : vector<64xf32> to vector<64x1xf32>
      %div3A = vector.broadcast %broadcast_in_dim3A_54 : vector<64x1xf32> to vector<64x128xf32>
      %div3A_55 = arith.divf %exp3A, %div3A : vector<64x128xf32>
      %dot_general3A_56 = arith.constant dense<0.000000e+00> : vector<64x64xf32>
      %dot_general3A_57 = tpu.matmul %div3A_55, %concatenate3A_46, %dot_general3A_56 {dimension_numbers = #tpu.dot_dimension_numbers<[1], [0], [0], [1], [0, 0, 1, 1], [], []>, transpose_lhs_hint = false} : vector<64x128xf32>, vector<128x64xf32>, vector<64x64xf32> -> vector<64x64xf32>
      %swap3A = arith.constant 0 : index
      %swap3A_58 = arith.index_cast %scan3A_4 : i32 to index
      %swap3A_59 = arith.constant 0 : index
      %swap3A_60 = arith.constant 0 : index
      %swap3A_61 = vector.load %arg6[%swap3A, %swap3A_58, %swap3A_59, %swap3A_60] : memref<1x128x64x64xf32, #tpu.memory_space<vmem>>, vector<1x1x64x64xf32>
      %swap3A_62 = vector.shape_cast %swap3A_61 : vector<1x1x64x64xf32> to vector<64x64xf32>
      %swap3A_63 = vector.shape_cast %dot_general3A_57 : vector<64x64xf32> to vector<1x1x64x64xf32>
      tpu.vector_store %arg6[%swap3A, %swap3A_58, %swap3A_59, %swap3A_60], %swap3A_63 {strides = array<i32>} : memref<1x128x64x64xf32, #tpu.memory_space<vmem>>, vector<1x1x64x64xf32>,
    }
    %scan3A_3 = arith.constant 128 : i32
    return
  }
  func.func @transform_0(%arg0: i32, %arg1: memref<8192xi32, #tpu.memory_space<smem>>, %arg2: memref<8192xf32, #tpu.memory_space<smem>>) -> (i32, i32, i32, i32) {
    %c0_i32 = arith.constant 0 : i32
    %c0_i32_0 = arith.constant 0 : i32
    %c0_i32_1 = arith.constant 0 : i32
    %c0_i32_2 = arith.constant 0 : i32
    return %arg0, %c0_i32, %c0_i32_0, %c0_i32_1 : i32, i32, i32, i32
  }
  func.func @transform_1(%arg0: i32, %arg1: memref<8192xi32, #tpu.memory_space<smem>>, %arg2: memref<8192xf32, #tpu.memory_space<smem>>) -> (i32, i32, i32, i32) {
    %c0_i32 = arith.constant 0 : i32
    %c0_i32_0 = arith.constant 0 : i32
    %c0_i32_1 = arith.constant 0 : i32
    %c0_i32_2 = arith.constant 0 : i32
    return %arg0, %c0_i32, %c0_i32_0, %c0_i32_1 : i32, i32, i32, i32
  }
  func.func @transform_2(%arg0: i32, %arg1: memref<8192xi32, #tpu.memory_space<smem>>, %arg2: memref<8192xf32, #tpu.memory_space<smem>>) -> (i32, i32, i32, i32) {
    %c0_i32 = arith.constant 0 : i32
    %c0_i32_0 = arith.constant 0 : i32
    %c0_i32_1 = arith.constant 0 : i32
    %c0_i32_2 = arith.constant 0 : i32
    return %arg0, %c0_i32, %c0_i32_0, %c0_i32_1 : i32, i32, i32, i32
  }
  func.func @transform_3(%arg0: i32, %arg1: memref<8192xi32, #tpu.memory_space<smem>>, %arg2: memref<8192xf32, #tpu.memory_space<smem>>) -> (i32, i32, i32, i32) {
    %c0_i32 = arith.constant 0 : i32
    %c0_i32_0 = arith.constant 0 : i32
    %c0_i32_1 = arith.constant 0 : i32
    %c0_i32_2 = arith.constant 0 : i32
    return %arg0, %c0_i32, %c0_i32_0, %c0_i32_1 : i32, i32, i32, i32
  }
}

</mosaic_0001>

<sc_bundles>
// kernel: sparse-core-data-format-call.cloned.1.call-start
scs
called_computation_lowered:
.L_overlay_start_0:
0x0: {  	s2 =	sld [smem:$0x3FD9]  }
0x1: {  	s3 =	sld [smem:$0x3FFE];
	_ =	sdelay $0x1  }
0x2: {  	s1 =	srdreg.scid  }
0x3: {  	s0 =	sand.u32 $0x1, s1  }
0x4: {  	s18 =	sshll.u32 s0, $0xA;
	s2 =	sadd.s32 s3, s2  }
0x5: {  	s2 =	sadd.s32 s2, s18  }
0x6: {  	[smem:$0x3FC4] =	sst s2  }
0x7: {  	_ = 	snop  }
0x8: {  	s2 =	sld [smem:$0x3FD0];
	(tm) =	ssettm $0x1  }
0x9: {  	s19 =	sld [smem:$0x3FFB];
	_ =	sdelay $0x3  }
0xa: {  	_ =	strace s19  }
0xb: {  	s3 =	sld [smem:$0x3FFC];
	_ =	sdelay $0x3  }
0xc: {  	_ =	strace s3  }
0xd: {  	s3 =	sld [smem:$0x3FFD];
	_ =	sdelay $0x3  }
0xe: {  	_ =	strace s3  }
0xf: {  	_ =	strace $0x8FFFFFFF  }
0x10: {  	s20 =	sld [smem:$0x3FDB];
	_ =	sdelay $0x1  }
0x11: {  	s4 =	simm.s32 $_scs_section_size  }
0x12: {  	s5 =	simm.s32 $_size__tile_overlayer_lowered;
	s6 =	simm.s32 $_tile_overlayer_lowered  }
0x13: {  	s23 =	simm.s32 $0x1BFF;
	s22 =	sshll.u32 s6, $0x1;
	s3 =	sadd.s32 s4, s20  }
0x14: {  	s7 =	simm.s32 $0x0;
	s21 =	sshll.u32 s5, $0x1;
	s5 =	sadd.s32 s22, s3  }
0x15: {  	[timem:s7], [sflag:s23] =	dma.local [hbm:s5], s21  }
0x16: {  	_ =	swait.ge [sflag:s23], s21  }
0x17: {  	s4 =	ssub.s32 $0x0, s21;
	[sflag:s23] =	ssyncset.done $0x0  }
0x18: {  	[sflag:s23] =	ssyncadd.s32 s4;
	_ =	sdelay $0x1  }
0x19: {  	s24 =	simm.s32 $0x1B8B  }
0x1a: {  	_ =	swait.ge [sflag:s24], $0x1  }
0x1b: {  	[sflag:s24] =	ssyncset.done $0x0  }
0x1c: {  	s26 =	simm.s32 $0x1B8E;
	s25 =	sld [smem:$0x3FFE];
	[sflag:s24] =	ssyncadd.s32 $0xFFFFFFFF  }
0x1d: {  	s27 =	simm.s32 $execute0_lowered;
	[smem:$0x3FD2] =	sst s26  }
0x1e: {  	s5 =	sshll.u32 s27, $0x1;
	_ =	strace $0x80000046;
	[dreg:$0x1] =	wrdreg $0xFFFFFFFF  }
0x1f: {  	s28 =	simm.s32 $_size_execute0_lowered;
	s3 =	sadd.s32 s3, s5;
	[dreg:$0x0] =	wrdreg $0x0  }
0x20: {  	s5 =	sshll.u32 s28, $0x1;
	[dreg:$0x2] =	wrdreg s3  }
0x21: {  	[dreg:$0x3] =	wrdreg s5  }
0x22: {  	[dreg:$0x4] =	wrdreg $0xC0  }
0x23: {  	_ =	task [dreg:s7], $0x5FFFF  }
0x24: {  	[dreg:$0x1] =	wrdreg $0xFFFFFFFF  }
0x25: {  	[dreg:$0x0] =	wrdreg $0x60  }
0x26: {  	[dreg:$0x2] =	wrdreg s25  }
0x27: {  	[dreg:$0x3] =	wrdreg s2  }
0x28: {  	[dreg:$0x4] =	wrdreg $0x9  }
0x29: {  	_ =	task.clear_ibuf [dreg:s7], $0x5FFFF;
	_ =	strace $0x90000046  }
0x2a: {  	s29 =	simm.s32 $0x9;
	_ =	strace $0x80000048  }
0x2b: {  	_ =	swait.ge [sflag:s29], $0x1  }
0x2c: {  	[sflag:s29] =	ssyncadd.s32 $0xFFFFFFFF  }
0x2d: {  	_ =	strace $0x90000048  }
0x2e: {  	_ =	sfence  }
0x2f: {  	s30 =	sld [smem:$0x0];
	_ =	sdelay $0x2  }
0x30: {  	s31 =	sshll.u32 s1, $0xD;
	s1 =	sshrl.u32 s1, $0x2  }
0x31: {  	s3 =	sand.u32 $0x4000, s31;
	s1 =	sadd.s32 s1, s30  }
0x32: {  	s0 =	sor.u32 s3, s0;
	s1 =	sshll.u32 s1, $0x11  }
0x33: {  	s0 =	sor.u32 s1, s0  }
0x34: {  	s0 =	sadd.s32 $0x8F2B, s0  }
0x35: {  	[sflag:s0] =	ssyncadd.remote.s32 $0x1  }
0x36: {  	_ =	sfence.sel $0xFFFF  }
0x37: {  	[dreg:$0x0] =	wrdreg $0xFFFFFFFF;
	(pc) =	sbr.abs _section_cstart, $3  }
0x38: {  	[dreg:$0x1] =	wrdreg $0xFFFFFFFF  }
0x39: {  	_ =	task.clear_ibuf [dreg:s7], $0x2FFFF;
	_ =	strace $0x9FFFFFFF  }
0x3a: {  	(tm) =	ssettm $0x7FFFFFFF  }
0x3b: {  	_ =	shalt  }
tec
execute0_lowered:
.L_overlay_start_1:
0x0: {  	(tag) =	ssettag $0x1  }
0x1: {  	s1 =	srdreg.scid  }
0x2: {  	s0 =	stileid.u32;
	s8 =	rddreg [dreg:$0x0]  }
0x3: {  	s2 =	rddreg [dreg:$0x1];
	s7 =	simm.s32 $0x1;
	s1 =	sshll.u32 s1, $0x4  }
0x4: {  	s9 =	simm.s32 $0x2;
	s15 =	simm.s32 $0x0;
	s1 =	sor.u32 s0, s1  }
0x5: {  	s10 =	simm.s32 $0x10000;
	s16 =	simm.s32 $0x0;
	s1 =	sshrl.u32 s1, $0x1  }
0x6: {  	s17 =	simm.s32 $0x0;
	s11 =	simm.s32 $0x0;
	s3 =	sand.u32 $0xE, s1  }
0x7: {  	s14 =	simm.s32 $0x0;
	s4 =	sadd.s32 $0x1800000, s8;
	s6 =	ssub.s32 $0x10, s3  }
0x8: {  	s8 =	sadd.s32 $0x1820000, s8;
	s1 =	rddreg [dreg:$0x2];
	s5 =	sand.u32 $0xE, s6  }
.Ltmp0:
0x9: {  	_ =	strace $0x80000047;
	p0 =	sne.s32 s5, $0x0;
	(pc) =	sbr.rel .LBB1_1-.Ltmp0, $4  }
0xa: {  	s6 =	sshrl.u32 s6, $0x4;
	s5 =	simm.s32 $0x1;
	s7 =	simm.s32 @!p0 $0x0  }
0xb: {  	s12 =	smov.u32 s3;
	[sflag:s5] =	ssyncpa.u1 $0x0;
	s7 =	sadd.s32 s7, s6  }
0xc: {  	p0 =	por $0x0, $0x0;
	s6 =	sand.u32 $0x3, s0;
	s7 =	sshll.u32 s7, $0x6  }
0xd: {  	[sflag:s9] =	ssyncpa.u1 $0x0;
	s13 =	smov.u32 s6;
	s9 =	sor.u32 $0x1, s7  }
.LBB1_7:
0xe: {  	s18 =	sadd.s32 $0x80, s11  }
0xf: {  	s15 =	sadd.s32 $0x10, s12;
	s19 =	smov.u32 s12;
	p2 =	sgt.s32 s18, $0x1FFF  }
0x10: {  	s19 =	smov.u32 @p2 s15  }
0x11: {  	s21 =	smov.u32 s13;
	s15 =	sadd.s32 $0x4, s13;
	p3 =	sgt.s32 s19, $0xF  }
0x12: {  	s21 =	smov.u32 @p3 s15  }
0x13: {  	s18 =	simm.s32 @p2 $0x0;
	p2 =	sgt.s32 s21, $0x3  }
0x14: {  	p1 =	slt.u32 s14, $0x2;
	s21 =	smov.u32 @p2 s6;
	p2 =	sne.s32 s14, s9  }
.Ltmp1:
0x15: {  	s20 =	simm.s32 @!p1 $0x2;
	(pc) =	sbr.rel @!p2 .LBB1_8-.Ltmp1, $4  }
0x16: {  	s16 =	smov.u32 s12;
	s17 =	smov.u32 s13;
	_ =	swait.ge @!p1 [sflag:s20], $0x4000  }
0x17: {  	p0 =	por !p0, !p0;
	[sflag:s20] =	ssyncset.done @!p1 $0x0;
	s19 =	smov.u32 @p3 s3  }
0x18: {  	s15 =	smov.u32 s11;
	[sflag:s20] =	ssyncadd.s32 @!p1 $0xFFFFC000;
	s11 =	smov.u32 s18  }
0x19: {  	s12 =	smov.u32 s19;
	s14 =	sadd.s32 $0x1, s14;
	s13 =	smov.u32 s21  }
.LBB1_1:
0x1a: {  	p1 =	sge.u32 s14, s7  }
0x1b: {  	s18 =	sxor.u32 @!p1 $0xFFFFFFFF, s14;
	s19 =	sshll.u32 @!p1 s13, $0x15  }
0x1c: {  	s20 =	sshll.u32 @!p1 s12, $0x11;
	s22 =	sshll.u32 @!p1 s11, $0x4;
	s23 =	simm.s32 @!p1 $0x40  }
0x1d: {  	s24 =	simm.s32 @!p1 $0x80;
	s18 =	sshll.u32 @!p1 s18, $0xE;
	s21 =	sadd.s32 @!p1 s19, s20  }
0x1e: {  	s22 =	sand.u32 @!p1 $0x1FFF0, s22;
	s19 =	sadd.s32 @!p1 s19, s8;
	s21 =	sadd.s32 @!p1 s4, s21  }
0x1f: {  	s18 =	sand.u32 @!p1 $0x4000, s18;
	s19 =	sadd.s32 @!p1 s20, s19;
	s21 =	sadd.s32 @!p1 s22, s21  }
0x20: {  	[tilespmem:s18], [sflag:$0x1] =	stream.strided.gather @!p1 [hbm4b:s21+s23], $0x2000, s24, s23, $0x38;
	[tilespmem:$0x10100] =	vst v63  }
0x21: {  	s31 =	sadd.s32 $0xFFFFFFFF, s14;
	s19 =	sadd.s32 @!p1 s22, s19;
	s18 =	sor.u32 @!p1 $0x2000, s18  }
0x22: {  	[tilespmem:s18], [sflag:$0x1] =	stream.strided.gather @!p1 [hbm4b:s19+s23], $0x2000, s24, s23, $0x38;
	[tilespmem:$0x10100] =	vst v63  }
0x23: {  	p1 =	sge.u32 s31, s7  }
.Ltmp2:
0x24: {  	_ = 	snop;
	(pc) =	sbr.rel @p1 .LBB1_7-.Ltmp2, $1  }
0x25: {  	_ =	sdelay $0x3  }
0x26: {  	s18 =	simm.s32 $0x1;
	s20 =	sand.u32 $0x1, s14  }
0x27: {  	_ =	swait.ge [sflag:s5], $0x4000;
	s18 =	simm.s32 @!p0 $0x0;
	s20 =	smul.u32 $0x10200, s20  }
0x28: {  	p2 =	por $0x1, $0x1;
	[sflag:s5] =	ssyncset.done $0x0;
	s19 =	smul.u32 $0x10200, s18  }
0x29: {  	s21 =	sshll.u32 s18, $0x10;
	[sflag:s5] =	ssyncadd.s32 $0xFFFFC000;
	s30 =	sshrl.u32 s20, $0x2  }
0x2a: {  	s31 =	sshrl.u32 s21, $0x2;
	s21 =	simm.s32 $0x0;
	s19 =	sshrl.u32 s19, $0x2  }
0x2b: {  	s18 =	sor.u32 $0x8000, s30;
	s20 =	sadd.s32 $0x20, s31;
	s19 =	sor.u32 $0x8000, s19  }
.LBB1_3:
0x2c: {  	s22 =	sshll.u32 s21, $0xD  }
0x2d: {  	s22 =	sand.u32 $0x3FFFE000, s22  }
0x2e: {  	s24 =	sadd.s32 s22, s20  }
0x2f: {  	s31 =	smul.u32 $0x8100, s21;
	v3 =	vld [tilespmem:s24+$0x10]  }
0x30: {  	v1 =	vld [tilespmem:s24+$0xFFFFFFF0]  }
0x31: {  	s21 =	sshra.s32 s31, $0x2;
	v0 =	vld [tilespmem:s24+$0x0]  }
0x32: {  	s21 =	sadd.s32 s21, s19;
	v2 =	vld [tilespmem:s24+$0xFFFFFFE0]  }
0x33: {  	s22 =	sadd.s32 $0x0, s21  }
0x34: {  	p1 =	por p2, p2;
	s23 =	simm.s32 $0x4;
	s24 =	sadd.s32 $0x40, s24;
	[tilespmem:s22+$0x1830 ss:$0x81] =	vst.msk $0xffff, v3  }
.LBB1_4:
0x35: {  	v3 =	vld [tilespmem:s24+$0x10];
	p2 =	sne.s32 s23, $0x1FC;
	[tilespmem:s22+$0x810 ss:$0x81] =	vst.msk $0xffff, v1;
	s25 =	smov.u32 s23;
	s23 =	sadd.s32 $0x4, s23  }
.Ltmp3:
0x36: {  	v1 =	vld [tilespmem:s24+$0xFFFFFFF0];
	[tilespmem:s22+$0x1020 ss:$0x81] =	vst.msk $0xffff, v0;
	(pc) =	sbr.rel @p2 .LBB1_4-.Ltmp3, $4  }
0x37: {  	v0 =	vld [tilespmem:s24+$0x0];
	[tilespmem:s22+$0x0 ss:$0x81] =	vst.msk $0xffff, v2  }
0x38: {  	s22 =	sshra.s32 s25, $0x2;
	v2 =	vld [tilespmem:s24+$0xFFFFFFE0]  }
0x39: {  	s22 =	sadd.s32 s22, s21  }
0x3a: {  	s24 =	sadd.s32 $0x40, s24;
	[tilespmem:s22+$0x1830 ss:$0x81] =	vst.msk $0xffff, v3  }
.Ltmp4:
0x3b: {  	(pc) =	sbr.rel @p1 .LBB1_3-.Ltmp4, $4  }
0x3c: {  	_ = 	snop  }
0x3d: {  	[tilespmem:s22+$0x810 ss:$0x81] =	vst.msk $0xffff, v1  }
0x3e: {  	[tilespmem:s22+$0x1020 ss:$0x81] =	vst.msk $0xffff, v0  }
0x3f: {  	s21 =	simm.s32 $0x1;
	p2 =	por $0x0, $0x0;
	[tilespmem:s22+$0x0 ss:$0x81] =	vst.msk $0xffff, v2  }
0x40: {  	s19 =	sshll.u32 s15, $0x3;
	s20 =	sand.u32 $0x78, s15  }
0x41: {  	s17 =	sshll.u32 s17, $0x14;
	s16 =	sshll.u32 s16, $0x10;
	s29 =	sand.u32 $0xFC00, s15  }
.Ltmp5:
0x42: {  	s19 =	sand.u32 $0x1C00, s19;
	s17 =	sadd.s32 s2, s17;
	(pc) =	sbr.rel .LBB1_7-.Ltmp5, $4  }
0x43: {  	s30 =	sand.u32 $0x7, s15;
	s19 =	sor.u32 s20, s19;
	s16 =	sadd.s32 s16, s17  }
0x44: {  	s15 =	sshll.u32 s30, $0x12;
	s31 =	sshrl.u32 s19, $0x3;
	s16 =	sadd.s32 s29, s16  }
0x45: {  	s15 =	sor.u32 $0x400, s15;
	s16 =	sadd.s32 s31, s16  }
0x46: {  	[hbm4b:s16+s15] =	stream.strided.scatter [tilespmem:s18], [sflag:$0x2], $0x4000, s10, s15, $0x20;
	[tilespmem:$0x10100] =	vst v63  }
.LBB1_8:
0x47: {  	_ =	sfence.sel $0x180000  }
0x48: {  	s2 =	simm.s32 $0x1;
	[bflag:$0x0] =	sbarrier.arrive $0xFFFF  }
0x49: {  	s31 =	simm.s32 $0x2;
	[sflag:s2] =	ssyncpa.u1 $0x1  }
0x4a: {  	[sflag:s31] =	ssyncpa.u1 $0x1  }
0x4b: {  	p0 =	sne.s32 s0, $0x0;
	_ =	strace $0x90000047  }
0x4c: {  	s0 =	sadd.s32 @!p0 $0x100000, s1;
	[bflag:$0x2] =	sbarrier.arrive $0xFFFF  }
0x4d: {  	[sflag:s0] =	ssyncadd.tile.s32 @!p0 $0x1;
	_ =	shalt  }
.Lfunc_end1:
_tile_overlayer_lowered:
.L_overlay_start_2:
0x4e: {  	(tag) =	ssettag $0x2  }
0x4f: {  	s0 =	rddreg [dreg:$0x0];
	s2 =	stileid.u32  }
0x50: {  	s1 =	rddreg [dreg:$0x1];
	p0 =	sne.s32 s2, $0x0  }
0x51: {  	s3 =	rddreg [dreg:$0x2];
	[bflag:$0x3] =	sbarrier.arrive $0xFFFF;
	s2 =	simm.s32 @!p0 $0x1C01  }
0x52: {  	[timem:s3], [sflag:s2] =	dma.local @!p0 [hbm:s0], s1  }
0x53: {  	s0 =	simm.s32 @!p0 $0x1  }
0x54: {  	_ =	swait.ge @!p0 [sflag:s0], s1  }
0x55: {  	s1 =	ssub.s32 @!p0 $0x0, s1;
	[sflag:s0] =	ssyncset.done @!p0 $0x0  }
0x56: {  	[sflag:s0] =	ssyncadd.s32 @!p0 s1  }
0x57: {  	[bflag:$0x3] =	sbarrier.arrive $0xFFFF  }
0x58: {  	_ =	shalt  }

</sc_bundles>
